<compile_context>
chip_gen: v7x
topology: tpu7x:2x2x1
jax: 0.10.2.dev20260603
libtpu: 0.0.44.dev20260713+nightly
codegen_flags: <defaults>
</compile_context>

<pallas_src>
import functools

import jax
import jax.numpy as jnp
from jax import lax
from jax.experimental import pallas as pl
from jax.experimental.pallas import tpu as pltpu
from jax.experimental.pallas import tpu_sc as plsc

_BETA = 0.9
_A = 0.2
_P = 1.5
_Q = -50.0
_SUP_EPS = 3

_NC = 2
_NS = 16
_NW = _NC * _NS
_CHUNK = 128


def _sc_gather(index_dataset, exp_avg, batch):
    b_per_w = batch // _NW
    n_chunks = b_per_w // _CHUNK
    mesh = plsc.VectorSubcoreMesh(core_axis_name="c", subcore_axis_name="s")

    @functools.partial(
        pl.kernel,
        out_type=jax.ShapeDtypeStruct((batch,), jnp.float32),
        mesh=mesh,
        scratch_types=[
            pltpu.VMEM((n_chunks, _CHUNK), jnp.int32),
            pltpu.VMEM((n_chunks, _CHUNK), jnp.float32),
            pltpu.SemaphoreType.DMA,
        ],
    )
    def gather_kernel(idx_hbm, table_hbm, out_hbm, idx_v, rows_v, sem):
        wid = lax.axis_index("s") * _NC + lax.axis_index("c")
        base = wid * b_per_w
        for j in range(n_chunks):
            pltpu.sync_copy(idx_hbm.at[pl.ds(base + j * _CHUNK, _CHUNK)],
                            idx_v.at[j])
        for j in range(n_chunks):
            pltpu.async_copy(table_hbm.at[idx_v.at[j]], rows_v.at[j], sem).wait()
        for j in range(n_chunks):
            pltpu.sync_copy(rows_v.at[j],
                            out_hbm.at[pl.ds(base + j * _CHUNK, _CHUNK)])

    return gather_kernel(index_dataset, exp_avg)


def _loss_half(x, t):
    row = lax.broadcasted_iota(jnp.int32, x.shape, 0)
    picked = jnp.sum(jnp.where(row == t, x, 0.0), axis=0)
    e = jnp.exp(x)
    ones = jnp.ones((1, x.shape[0]), jnp.float32)
    dims = (((1,), (0,)), ((), ()))
    s = lax.dot_general(ones, e, dims, preferred_element_type=jnp.float32)
    return jnp.log(s).reshape(x.shape[1]) - picked


def _loss_body(logits_ref, tgt_ref, loss_ref):
    loss_ref[...] = _loss_half(logits_ref[...], tgt_ref[...])


def _epilogue_body(ep_ref, loss_ref, g_ref, dpm_ref, out_ref):
    ep = ep_ref[0, 0].astype(jnp.float32)
    gamma = _A * jnp.tanh(_P * ep + _Q) + _A + 1.0
    es = jnp.where(ep < _SUP_EPS, (ep + 1.0) / 10.0, 1.0)
    bias_cor = 1.0 - jnp.exp((ep + 1.0) * jnp.log(jnp.float32(_BETA)))
    c1 = _BETA / bias_cor
    c2 = (1.0 - _BETA) / bias_cor
    v = g_ref[...] * c1 + loss_ref[...] * c2
    k1 = jnp.sum(v) * (1.0 / v.size)
    out_ref[...] = (v - gamma * k1) * es / dpm_ref[...]


def kernel(logits, targets, data_parameter_minibatch, exp_avg, index_dataset,
           epoch):
    B, C = logits.shape
    BC = 4096
    nb = B // BC

    ep2d = jnp.asarray(epoch, jnp.int32).reshape(1, 1)

    gathered = _sc_gather(index_dataset, exp_avg, B)

    loss = pl.pallas_call(
        _loss_body,
        grid=(nb,),
        in_specs=[
            pl.BlockSpec((C, BC), lambda i: (0, i)),
            pl.BlockSpec((1, BC), lambda i: (0, i)),
        ],
        out_specs=pl.BlockSpec((BC,), lambda i: (i,)),
        out_shape=jax.ShapeDtypeStruct((B,), jnp.float32),
    )(logits.T, targets.reshape(1, B))

    out = pl.pallas_call(
        _epilogue_body,
        in_specs=[
            pl.BlockSpec(memory_space=pltpu.SMEM),
            pl.BlockSpec((B,), lambda: (0,)),
            pl.BlockSpec((B,), lambda: (0,)),
            pl.BlockSpec((B,), lambda: (0,)),
        ],
        out_specs=pl.BlockSpec((B,), lambda: (0,)),
        out_shape=jax.ShapeDtypeStruct((B,), jnp.float32),
    )(ep2d, loss, gathered, data_parameter_minibatch)

    return out

# --- scband reference (transcript-rebuilt; emitter-appended) ---
"""Pipeline reference for scband-discrim-ea-emak-tanhloss-28630251995796 (READ-ONLY COPY).

The authoritative reference and input builder live on the scoring server;
editing this copy changes nothing except your own understanding.
"""

import jax, jax.numpy as jnp
import numpy as np

beta = 0.9
rho = 0.9

A = 0.2
P = 1.5
Q = -50.0
SUP_EPS = 3


def es_linear(ce, sup_eps):
    return jnp.where(ce < sup_eps, (ce + 1) / 10.0, 1.0)


def setup_inputs(seed: int = 0) -> dict:
    key = jax.random.key(seed)
    k1, k2, k3, k4 = jax.random.split(key, 4)
    B = 16384
    C = 1000
    N = 1000000
    logits = jax.random.normal(k1, (B, C), dtype=jnp.float32)
    targets = jax.random.randint(k2, (B,), 0, C, dtype=jnp.int32)
    data_parameter_minibatch = jnp.ones((B,), dtype=jnp.float32)
    exp_avg = jax.random.uniform(k3, (N,), dtype=jnp.float32)
    index_dataset = jax.random.randint(k4, (B,), 0, N, dtype=jnp.int32)
    epoch = 5
    return {
        "logits": logits,
        "targets": targets,
        "data_parameter_minibatch": data_parameter_minibatch,
        "exp_avg": exp_avg,
        "index_dataset": index_dataset,
        "epoch": epoch,
    }


def reference(logits, targets, data_parameter_minibatch, exp_avg, index_dataset, epoch):
    # gamma = a * tanh(p*epoch + q) + a + 1.0
    gamma = A * jnp.tanh(P * epoch + Q) + A + 1.0
    es = es_linear(epoch, SUP_EPS)
    # classification path: per-sample cross entropy (reduction='none')
    logp = jax.nn.log_softmax(logits, axis=-1)
    loss = -jnp.take_along_axis(logp, targets[:, None].astype(jnp.int32), axis=1)[:, 0]
    # exponential moving average of per-sample loss (gather from buffer)
    gathered = jnp.take(exp_avg, index_dataset, axis=0)
    new_loss = gathered * beta + loss * (1.0 - beta)
    # (side-effect in torch: exp_avg[index_dataset] = new_loss.detach(); the
    # torch forward returns only new_loss, so we mirror that)
    bias_cor = 1.0 - beta ** (epoch + 1)
    new_loss = new_loss / bias_cor
    # first=True branch: k1 = new_loss.mean().item() -> constant (detached)
    k1 = jax.lax.stop_gradient(jnp.mean(new_loss))
    new_loss = new_loss - gamma * k1
    new_loss = new_loss * jnp.asarray(es, dtype=new_loss.dtype)
    new_loss = new_loss / data_parameter_minibatch
    return new_loss

if __name__ == "__main__":
    import jax
    _d = setup_inputs()
    print(jax.jit(kernel)(*tuple(_d.values())))

</pallas_src>

<mosaic_0001>
#map = affine_map<(d0, d1) -> (0)>
module attributes {stable_mosaic.version = 14 : i64} {
  func.func @gather_kernel(%arg0: i32, %arg1: i32, %arg2: memref<16384xi32, #tpu.memory_space<hbm>>, %arg3: memref<1000000xf32, #tpu.memory_space<hbm>>, %arg4: memref<16384xf32, #tpu.memory_space<hbm>>, %arg5: memref<4x128xi32, #tpu.memory_space<vmem>>, %arg6: memref<4x128xf32, #tpu.memory_space<vmem>>, %arg7: memref<!tpu.dma_semaphore, #tpu.memory_space<semaphore_mem>>) attributes {dimension_semantics = [#tpu.dimension_semantics<core_parallel>, #tpu.dimension_semantics<subcore_parallel>], iteration_bounds = array<i64: 2, 16>, scalar_prefetch = 0 : i64, scratch_operands = 3 : i64, tpu.core_type = #tpu.core_type<sc_vector_subcore>, window_params = [{transform_indices = #map}, {transform_indices = #map}, {transform_indices = #map}]} {
    %mul3A = arith.constant 2 : i32
    %mul3A_0 = arith.muli %arg1, %mul3A : i32
    %add3A = arith.addi %mul3A_0, %arg0 : i32
    %mul3A_1 = arith.constant 512 : i32
    %mul3A_2 = arith.muli %add3A, %mul3A_1 : i32
    %add3A_3 = arith.constant 0 : i32
    %add3A_4 = arith.addi %mul3A_2, %add3A_3 : i32
    %run_scoped3A = arith.constant 0 : i32
    "tpu.region"() ({
      %run_scoped3A_104 = tpu.sem_alloc : memref<!tpu.dma_semaphore, #tpu.memory_space<semaphore_mem>>
      %dma_start3A_105 = arith.constant 0 : i32
      %dma_start3A_106 = tpu.memref_slice %arg5[%run_scoped3A, %dma_start3A_105] : memref<4x128xi32, #tpu.memory_space<vmem>> -> memref<1x128xi32, #tpu.memory_space<vmem>>
      %dma_start3A_107 = tpu.memref_squeeze %dma_start3A_106 : memref<1x128xi32, #tpu.memory_space<vmem>> -> memref<128xi32, #tpu.memory_space<vmem>>
      %dma_start3A_108 = tpu.memref_slice %arg2[%add3A_4] : memref<16384xi32, #tpu.memory_space<hbm>> -> memref<128xi32, #tpu.memory_space<hbm>>
      %dma_start3A_109 = arith.constant 0 : i32
      %dma_start3A_110 = tpu.memref_slice %arg5[%run_scoped3A, %dma_start3A_109] : memref<4x128xi32, #tpu.memory_space<vmem>> -> memref<1x128xi32, #tpu.memory_space<vmem>>
      %dma_start3A_111 = tpu.memref_squeeze %dma_start3A_110 : memref<1x128xi32, #tpu.memory_space<vmem>> -> memref<128xi32, #tpu.memory_space<vmem>>
      %dma_start3A_112 = tpu.memref_slice %arg2[%add3A_4] : memref<16384xi32, #tpu.memory_space<hbm>> -> memref<128xi32, #tpu.memory_space<hbm>>
      tpu.enqueue_dma source(%dma_start3A_112 : memref<128xi32, #tpu.memory_space<hbm>>) target(%dma_start3A_111 : memref<128xi32, #tpu.memory_space<vmem>>) target_semaphore(%run_scoped3A_104 : memref<!tpu.dma_semaphore, #tpu.memory_space<semaphore_mem>>)
      %dma_wait3A_113 = arith.constant 0 : i32
      %dma_wait3A_114 = tpu.memref_slice %arg5[%run_scoped3A, %dma_wait3A_113] : memref<4x128xi32, #tpu.memory_space<vmem>> -> memref<1x128xi32, #tpu.memory_space<vmem>>
      %dma_wait3A_115 = tpu.memref_squeeze %dma_wait3A_114 : memref<1x128xi32, #tpu.memory_space<vmem>> -> memref<128xi32, #tpu.memory_space<vmem>>
      %dma_wait3A_116 = tpu.memref_slice %arg2[%add3A_4] : memref<16384xi32, #tpu.memory_space<hbm>> -> memref<128xi32, #tpu.memory_space<hbm>>
      %dma_wait3A_117 = arith.constant 0 : i32
      %dma_wait3A_118 = tpu.memref_slice %arg5[%run_scoped3A, %dma_wait3A_117] : memref<4x128xi32, #tpu.memory_space<vmem>> -> memref<1x128xi32, #tpu.memory_space<vmem>>
      %dma_wait3A_119 = tpu.memref_squeeze %dma_wait3A_118 : memref<1x128xi32, #tpu.memory_space<vmem>> -> memref<128xi32, #tpu.memory_space<vmem>>
      %dma_wait3A_120 = tpu.memref_slice %arg2[%add3A_4] : memref<16384xi32, #tpu.memory_space<hbm>> -> memref<128xi32, #tpu.memory_space<hbm>>
      tpu.wait_dma2 semaphore(%run_scoped3A_104 : memref<!tpu.dma_semaphore, #tpu.memory_space<semaphore_mem>>) src(%dma_wait3A_120 : memref<128xi32, #tpu.memory_space<hbm>>) dst(%dma_wait3A_119 : memref<128xi32, #tpu.memory_space<vmem>>)
      tpu.yield
    }) : () -> ()
    %add3A_5 = arith.constant 128 : i32
    %add3A_6 = arith.addi %mul3A_2, %add3A_5 : i32
    %run_scoped3A_7 = arith.constant 1 : i32
    "tpu.region"() ({
      %run_scoped3A_104 = tpu.sem_alloc : memref<!tpu.dma_semaphore, #tpu.memory_space<semaphore_mem>>
      %dma_start3A_105 = arith.constant 0 : i32
      %dma_start3A_106 = tpu.memref_slice %arg5[%run_scoped3A_7, %dma_start3A_105] : memref<4x128xi32, #tpu.memory_space<vmem>> -> memref<1x128xi32, #tpu.memory_space<vmem>>
      %dma_start3A_107 = tpu.memref_squeeze %dma_start3A_106 : memref<1x128xi32, #tpu.memory_space<vmem>> -> memref<128xi32, #tpu.memory_space<vmem>>
      %dma_start3A_108 = tpu.memref_slice %arg2[%add3A_6] : memref<16384xi32, #tpu.memory_space<hbm>> -> memref<128xi32, #tpu.memory_space<hbm>>
      %dma_start3A_109 = arith.constant 0 : i32
      %dma_start3A_110 = tpu.memref_slice %arg5[%run_scoped3A_7, %dma_start3A_109] : memref<4x128xi32, #tpu.memory_space<vmem>> -> memref<1x128xi32, #tpu.memory_space<vmem>>
      %dma_start3A_111 = tpu.memref_squeeze %dma_start3A_110 : memref<1x128xi32, #tpu.memory_space<vmem>> -> memref<128xi32, #tpu.memory_space<vmem>>
      %dma_start3A_112 = tpu.memref_slice %arg2[%add3A_6] : memref<16384xi32, #tpu.memory_space<hbm>> -> memref<128xi32, #tpu.memory_space<hbm>>
      tpu.enqueue_dma source(%dma_start3A_112 : memref<128xi32, #tpu.memory_space<hbm>>) target(%dma_start3A_111 : memref<128xi32, #tpu.memory_space<vmem>>) target_semaphore(%run_scoped3A_104 : memref<!tpu.dma_semaphore, #tpu.memory_space<semaphore_mem>>)
      %dma_wait3A_113 = arith.constant 0 : i32
      %dma_wait3A_114 = tpu.memref_slice %arg5[%run_scoped3A_7, %dma_wait3A_113] : memref<4x128xi32, #tpu.memory_space<vmem>> -> memref<1x128xi32, #tpu.memory_space<vmem>>
      %dma_wait3A_115 = tpu.memref_squeeze %dma_wait3A_114 : memref<1x128xi32, #tpu.memory_space<vmem>> -> memref<128xi32, #tpu.memory_space<vmem>>
      %dma_wait3A_116 = tpu.memref_slice %arg2[%add3A_6] : memref<16384xi32, #tpu.memory_space<hbm>> -> memref<128xi32, #tpu.memory_space<hbm>>
      %dma_wait3A_117 = arith.constant 0 : i32
      %dma_wait3A_118 = tpu.memref_slice %arg5[%run_scoped3A_7, %dma_wait3A_117] : memref<4x128xi32, #tpu.memory_space<vmem>> -> memref<1x128xi32, #tpu.memory_space<vmem>>
      %dma_wait3A_119 = tpu.memref_squeeze %dma_wait3A_118 : memref<1x128xi32, #tpu.memory_space<vmem>> -> memref<128xi32, #tpu.memory_space<vmem>>
      %dma_wait3A_120 = tpu.memref_slice %arg2[%add3A_6] : memref<16384xi32, #tpu.memory_space<hbm>> -> memref<128xi32, #tpu.memory_space<hbm>>
      tpu.wait_dma2 semaphore(%run_scoped3A_104 : memref<!tpu.dma_semaphore, #tpu.memory_space<semaphore_mem>>) src(%dma_wait3A_120 : memref<128xi32, #tpu.memory_space<hbm>>) dst(%dma_wait3A_119 : memref<128xi32, #tpu.memory_space<vmem>>)
      tpu.yield
    }) : () -> ()
    %add3A_8 = arith.constant 256 : i32
    %add3A_9 = arith.addi %mul3A_2, %add3A_8 : i32
    %run_scoped3A_10 = arith.constant 2 : i32
    "tpu.region"() ({
      %run_scoped3A_104 = tpu.sem_alloc : memref<!tpu.dma_semaphore, #tpu.memory_space<semaphore_mem>>
      %dma_start3A_105 = arith.constant 0 : i32
      %dma_start3A_106 = tpu.memref_slice %arg5[%run_scoped3A_10, %dma_start3A_105] : memref<4x128xi32, #tpu.memory_space<vmem>> -> memref<1x128xi32, #tpu.memory_space<vmem>>
      %dma_start3A_107 = tpu.memref_squeeze %dma_start3A_106 : memref<1x128xi32, #tpu.memory_space<vmem>> -> memref<128xi32, #tpu.memory_space<vmem>>
      %dma_start3A_108 = tpu.memref_slice %arg2[%add3A_9] : memref<16384xi32, #tpu.memory_space<hbm>> -> memref<128xi32, #tpu.memory_space<hbm>>
      %dma_start3A_109 = arith.constant 0 : i32
      %dma_start3A_110 = tpu.memref_slice %arg5[%run_scoped3A_10, %dma_start3A_109] : memref<4x128xi32, #tpu.memory_space<vmem>> -> memref<1x128xi32, #tpu.memory_space<vmem>>
      %dma_start3A_111 = tpu.memref_squeeze %dma_start3A_110 : memref<1x128xi32, #tpu.memory_space<vmem>> -> memref<128xi32, #tpu.memory_space<vmem>>
      %dma_start3A_112 = tpu.memref_slice %arg2[%add3A_9] : memref<16384xi32, #tpu.memory_space<hbm>> -> memref<128xi32, #tpu.memory_space<hbm>>
      tpu.enqueue_dma source(%dma_start3A_112 : memref<128xi32, #tpu.memory_space<hbm>>) target(%dma_start3A_111 : memref<128xi32, #tpu.memory_space<vmem>>) target_semaphore(%run_scoped3A_104 : memref<!tpu.dma_semaphore, #tpu.memory_space<semaphore_mem>>)
      %dma_wait3A_113 = arith.constant 0 : i32
      %dma_wait3A_114 = tpu.memref_slice %arg5[%run_scoped3A_10, %dma_wait3A_113] : memref<4x128xi32, #tpu.memory_space<vmem>> -> memref<1x128xi32, #tpu.memory_space<vmem>>
      %dma_wait3A_115 = tpu.memref_squeeze %dma_wait3A_114 : memref<1x128xi32, #tpu.memory_space<vmem>> -> memref<128xi32, #tpu.memory_space<vmem>>
      %dma_wait3A_116 = tpu.memref_slice %arg2[%add3A_9] : memref<16384xi32, #tpu.memory_space<hbm>> -> memref<128xi32, #tpu.memory_space<hbm>>
      %dma_wait3A_117 = arith.constant 0 : i32
      %dma_wait3A_118 = tpu.memref_slice %arg5[%run_scoped3A_10, %dma_wait3A_117] : memref<4x128xi32, #tpu.memory_space<vmem>> -> memref<1x128xi32, #tpu.memory_space<vmem>>
      %dma_wait3A_119 = tpu.memref_squeeze %dma_wait3A_118 : memref<1x128xi32, #tpu.memory_space<vmem>> -> memref<128xi32, #tpu.memory_space<vmem>>
      %dma_wait3A_120 = tpu.memref_slice %arg2[%add3A_9] : memref<16384xi32, #tpu.memory_space<hbm>> -> memref<128xi32, #tpu.memory_space<hbm>>
      tpu.wait_dma2 semaphore(%run_scoped3A_104 : memref<!tpu.dma_semaphore, #tpu.memory_space<semaphore_mem>>) src(%dma_wait3A_120 : memref<128xi32, #tpu.memory_space<hbm>>) dst(%dma_wait3A_119 : memref<128xi32, #tpu.memory_space<vmem>>)
      tpu.yield
    }) : () -> ()
    %add3A_11 = arith.constant 384 : i32
    %add3A_12 = arith.addi %mul3A_2, %add3A_11 : i32
    %run_scoped3A_13 = arith.constant 3 : i32
    "tpu.region"() ({
      %run_scoped3A_104 = tpu.sem_alloc : memref<!tpu.dma_semaphore, #tpu.memory_space<semaphore_mem>>
      %dma_start3A_105 = arith.constant 0 : i32
      %dma_start3A_106 = tpu.memref_slice %arg5[%run_scoped3A_13, %dma_start3A_105] : memref<4x128xi32, #tpu.memory_space<vmem>> -> memref<1x128xi32, #tpu.memory_space<vmem>>
      %dma_start3A_107 = tpu.memref_squeeze %dma_start3A_106 : memref<1x128xi32, #tpu.memory_space<vmem>> -> memref<128xi32, #tpu.memory_space<vmem>>
      %dma_start3A_108 = tpu.memref_slice %arg2[%add3A_12] : memref<16384xi32, #tpu.memory_space<hbm>> -> memref<128xi32, #tpu.memory_space<hbm>>
      %dma_start3A_109 = arith.constant 0 : i32
      %dma_start3A_110 = tpu.memref_slice %arg5[%run_scoped3A_13, %dma_start3A_109] : memref<4x128xi32, #tpu.memory_space<vmem>> -> memref<1x128xi32, #tpu.memory_space<vmem>>
      %dma_start3A_111 = tpu.memref_squeeze %dma_start3A_110 : memref<1x128xi32, #tpu.memory_space<vmem>> -> memref<128xi32, #tpu.memory_space<vmem>>
      %dma_start3A_112 = tpu.memref_slice %arg2[%add3A_12] : memref<16384xi32, #tpu.memory_space<hbm>> -> memref<128xi32, #tpu.memory_space<hbm>>
      tpu.enqueue_dma source(%dma_start3A_112 : memref<128xi32, #tpu.memory_space<hbm>>) target(%dma_start3A_111 : memref<128xi32, #tpu.memory_space<vmem>>) target_semaphore(%run_scoped3A_104 : memref<!tpu.dma_semaphore, #tpu.memory_space<semaphore_mem>>)
      %dma_wait3A_113 = arith.constant 0 : i32
      %dma_wait3A_114 = tpu.memref_slice %arg5[%run_scoped3A_13, %dma_wait3A_113] : memref<4x128xi32, #tpu.memory_space<vmem>> -> memref<1x128xi32, #tpu.memory_space<vmem>>
      %dma_wait3A_115 = tpu.memref_squeeze %dma_wait3A_114 : memref<1x128xi32, #tpu.memory_space<vmem>> -> memref<128xi32, #tpu.memory_space<vmem>>
      %dma_wait3A_116 = tpu.memref_slice %arg2[%add3A_12] : memref<16384xi32, #tpu.memory_space<hbm>> -> memref<128xi32, #tpu.memory_space<hbm>>
      %dma_wait3A_117 = arith.constant 0 : i32
      %dma_wait3A_118 = tpu.memref_slice %arg5[%run_scoped3A_13, %dma_wait3A_117] : memref<4x128xi32, #tpu.memory_space<vmem>> -> memref<1x128xi32, #tpu.memory_space<vmem>>
      %dma_wait3A_119 = tpu.memref_squeeze %dma_wait3A_118 : memref<1x128xi32, #tpu.memory_space<vmem>> -> memref<128xi32, #tpu.memory_space<vmem>>
      %dma_wait3A_120 = tpu.memref_slice %arg2[%add3A_12] : memref<16384xi32, #tpu.memory_space<hbm>> -> memref<128xi32, #tpu.memory_space<hbm>>
      tpu.wait_dma2 semaphore(%run_scoped3A_104 : memref<!tpu.dma_semaphore, #tpu.memory_space<semaphore_mem>>) src(%dma_wait3A_120 : memref<128xi32, #tpu.memory_space<hbm>>) dst(%dma_wait3A_119 : memref<128xi32, #tpu.memory_space<vmem>>)
      tpu.yield
    }) : () -> ()
    %dma_start3A = arith.constant 0 : i32
    %dma_start3A_14 = arith.constant 0 : i32
    %dma_start3A_15 = arith.constant 0 : i32
    %dma_start3A_16 = tpu.memref_slice %arg6[%dma_start3A_14, %dma_start3A_15] : memref<4x128xf32, #tpu.memory_space<vmem>> -> memref<1x128xf32, #tpu.memory_space<vmem>>
    %dma_start3A_17 = tpu.memref_squeeze %dma_start3A_16 : memref<1x128xf32, #tpu.memory_space<vmem>> -> memref<128xf32, #tpu.memory_space<vmem>>
    %dma_start3A_18 = arith.constant 0 : i32
    %dma_start3A_19 = tpu.memref_slice %arg5[%dma_start3A, %dma_start3A_18] : memref<4x128xi32, #tpu.memory_space<vmem>> -> memref<1x128xi32, #tpu.memory_space<vmem>>
    %dma_start3A_20 = tpu.memref_squeeze %dma_start3A_19 : memref<1x128xi32, #tpu.memory_space<vmem>> -> memref<128xi32, #tpu.memory_space<vmem>>
    %dma_start3A_21 = arith.constant 0 : i32
    %dma_start3A_22 = tpu.memref_slice %arg3[%dma_start3A_21] : memref<1000000xf32, #tpu.memory_space<hbm>> -> memref<1000000xf32, #tpu.memory_space<hbm>>
    tpu.enqueue_indirect_dma source(%dma_start3A_22 : memref<1000000xf32, #tpu.memory_space<hbm>>) target(%dma_start3A_17 : memref<128xf32, #tpu.memory_space<vmem>>) offsets(%dma_start3A_20 : memref<128xi32, #tpu.memory_space<vmem>>) semaphore(%arg7 : memref<!tpu.dma_semaphore, #tpu.memory_space<semaphore_mem>>)
    %dma_wait3A = arith.constant 0 : i32
    %dma_wait3A_23 = arith.constant 0 : i32
    %dma_wait3A_24 = arith.constant 0 : i32
    %dma_wait3A_25 = tpu.memref_slice %arg6[%dma_wait3A_23, %dma_wait3A_24] : memref<4x128xf32, #tpu.memory_space<vmem>> -> memref<1x128xf32, #tpu.memory_space<vmem>>
    %dma_wait3A_26 = tpu.memref_squeeze %dma_wait3A_25 : memref<1x128xf32, #tpu.memory_space<vmem>> -> memref<128xf32, #tpu.memory_space<vmem>>
    %dma_wait3A_27 = arith.constant 0 : i32
    %dma_wait3A_28 = tpu.memref_slice %arg5[%dma_wait3A, %dma_wait3A_27] : memref<4x128xi32, #tpu.memory_space<vmem>> -> memref<1x128xi32, #tpu.memory_space<vmem>>
    %dma_wait3A_29 = tpu.memref_squeeze %dma_wait3A_28 : memref<1x128xi32, #tpu.memory_space<vmem>> -> memref<128xi32, #tpu.memory_space<vmem>>
    %dma_wait3A_30 = arith.constant 0 : i32
    %dma_wait3A_31 = tpu.memref_slice %arg3[%dma_wait3A_30] : memref<1000000xf32, #tpu.memory_space<hbm>> -> memref<1000000xf32, #tpu.memory_space<hbm>>
    tpu.wait_indirect_dma semaphore(%arg7 : memref<!tpu.dma_semaphore, #tpu.memory_space<semaphore_mem>>) src(%dma_wait3A_31 : memref<1000000xf32, #tpu.memory_space<hbm>>) dst(%dma_wait3A_26 : memref<128xf32, #tpu.memory_space<vmem>>)
    %dma_start3A_32 = arith.constant 1 : i32
    %dma_start3A_33 = arith.constant 1 : i32
    %dma_start3A_34 = arith.constant 0 : i32
    %dma_start3A_35 = tpu.memref_slice %arg6[%dma_start3A_33, %dma_start3A_34] : memref<4x128xf32, #tpu.memory_space<vmem>> -> memref<1x128xf32, #tpu.memory_space<vmem>>
    %dma_start3A_36 = tpu.memref_squeeze %dma_start3A_35 : memref<1x128xf32, #tpu.memory_space<vmem>> -> memref<128xf32, #tpu.memory_space<vmem>>
    %dma_start3A_37 = arith.constant 0 : i32
    %dma_start3A_38 = tpu.memref_slice %arg5[%dma_start3A_32, %dma_start3A_37] : memref<4x128xi32, #tpu.memory_space<vmem>> -> memref<1x128xi32, #tpu.memory_space<vmem>>
    %dma_start3A_39 = tpu.memref_squeeze %dma_start3A_38 : memref<1x128xi32, #tpu.memory_space<vmem>> -> memref<128xi32, #tpu.memory_space<vmem>>
    %dma_start3A_40 = arith.constant 0 : i32
    %dma_start3A_41 = tpu.memref_slice %arg3[%dma_start3A_40] : memref<1000000xf32, #tpu.memory_space<hbm>> -> memref<1000000xf32, #tpu.memory_space<hbm>>
    tpu.enqueue_indirect_dma source(%dma_start3A_41 : memref<1000000xf32, #tpu.memory_space<hbm>>) target(%dma_start3A_36 : memref<128xf32, #tpu.memory_space<vmem>>) offsets(%dma_start3A_39 : memref<128xi32, #tpu.memory_space<vmem>>) semaphore(%arg7 : memref<!tpu.dma_semaphore, #tpu.memory_space<semaphore_mem>>)
    %dma_wait3A_42 = arith.constant 1 : i32
    %dma_wait3A_43 = arith.constant 1 : i32
    %dma_wait3A_44 = arith.constant 0 : i32
    %dma_wait3A_45 = tpu.memref_slice %arg6[%dma_wait3A_43, %dma_wait3A_44] : memref<4x128xf32, #tpu.memory_space<vmem>> -> memref<1x128xf32, #tpu.memory_space<vmem>>
    %dma_wait3A_46 = tpu.memref_squeeze %dma_wait3A_45 : memref<1x128xf32, #tpu.memory_space<vmem>> -> memref<128xf32, #tpu.memory_space<vmem>>
    %dma_wait3A_47 = arith.constant 0 : i32
    %dma_wait3A_48 = tpu.memref_slice %arg5[%dma_wait3A_42, %dma_wait3A_47] : memref<4x128xi32, #tpu.memory_space<vmem>> -> memref<1x128xi32, #tpu.memory_space<vmem>>
    %dma_wait3A_49 = tpu.memref_squeeze %dma_wait3A_48 : memref<1x128xi32, #tpu.memory_space<vmem>> -> memref<128xi32, #tpu.memory_space<vmem>>
    %dma_wait3A_50 = arith.constant 0 : i32
    %dma_wait3A_51 = tpu.memref_slice %arg3[%dma_wait3A_50] : memref<1000000xf32, #tpu.memory_space<hbm>> -> memref<1000000xf32, #tpu.memory_space<hbm>>
    tpu.wait_indirect_dma semaphore(%arg7 : memref<!tpu.dma_semaphore, #tpu.memory_space<semaphore_mem>>) src(%dma_wait3A_51 : memref<1000000xf32, #tpu.memory_space<hbm>>) dst(%dma_wait3A_46 : memref<128xf32, #tpu.memory_space<vmem>>)
    %dma_start3A_52 = arith.constant 2 : i32
    %dma_start3A_53 = arith.constant 2 : i32
    %dma_start3A_54 = arith.constant 0 : i32
    %dma_start3A_55 = tpu.memref_slice %arg6[%dma_start3A_53, %dma_start3A_54] : memref<4x128xf32, #tpu.memory_space<vmem>> -> memref<1x128xf32, #tpu.memory_space<vmem>>
    %dma_start3A_56 = tpu.memref_squeeze %dma_start3A_55 : memref<1x128xf32, #tpu.memory_space<vmem>> -> memref<128xf32, #tpu.memory_space<vmem>>
    %dma_start3A_57 = arith.constant 0 : i32
    %dma_start3A_58 = tpu.memref_slice %arg5[%dma_start3A_52, %dma_start3A_57] : memref<4x128xi32, #tpu.memory_space<vmem>> -> memref<1x128xi32, #tpu.memory_space<vmem>>
    %dma_start3A_59 = tpu.memref_squeeze %dma_start3A_58 : memref<1x128xi32, #tpu.memory_space<vmem>> -> memref<128xi32, #tpu.memory_space<vmem>>
    %dma_start3A_60 = arith.constant 0 : i32
    %dma_start3A_61 = tpu.memref_slice %arg3[%dma_start3A_60] : memref<1000000xf32, #tpu.memory_space<hbm>> -> memref<1000000xf32, #tpu.memory_space<hbm>>
    tpu.enqueue_indirect_dma source(%dma_start3A_61 : memref<1000000xf32, #tpu.memory_space<hbm>>) target(%dma_start3A_56 : memref<128xf32, #tpu.memory_space<vmem>>) offsets(%dma_start3A_59 : memref<128xi32, #tpu.memory_space<vmem>>) semaphore(%arg7 : memref<!tpu.dma_semaphore, #tpu.memory_space<semaphore_mem>>)
    %dma_wait3A_62 = arith.constant 2 : i32
    %dma_wait3A_63 = arith.constant 2 : i32
    %dma_wait3A_64 = arith.constant 0 : i32
    %dma_wait3A_65 = tpu.memref_slice %arg6[%dma_wait3A_63, %dma_wait3A_64] : memref<4x128xf32, #tpu.memory_space<vmem>> -> memref<1x128xf32, #tpu.memory_space<vmem>>
    %dma_wait3A_66 = tpu.memref_squeeze %dma_wait3A_65 : memref<1x128xf32, #tpu.memory_space<vmem>> -> memref<128xf32, #tpu.memory_space<vmem>>
    %dma_wait3A_67 = arith.constant 0 : i32
    %dma_wait3A_68 = tpu.memref_slice %arg5[%dma_wait3A_62, %dma_wait3A_67] : memref<4x128xi32, #tpu.memory_space<vmem>> -> memref<1x128xi32, #tpu.memory_space<vmem>>
    %dma_wait3A_69 = tpu.memref_squeeze %dma_wait3A_68 : memref<1x128xi32, #tpu.memory_space<vmem>> -> memref<128xi32, #tpu.memory_space<vmem>>
    %dma_wait3A_70 = arith.constant 0 : i32
    %dma_wait3A_71 = tpu.memref_slice %arg3[%dma_wait3A_70] : memref<1000000xf32, #tpu.memory_space<hbm>> -> memref<1000000xf32, #tpu.memory_space<hbm>>
    tpu.wait_indirect_dma semaphore(%arg7 : memref<!tpu.dma_semaphore, #tpu.memory_space<semaphore_mem>>) src(%dma_wait3A_71 : memref<1000000xf32, #tpu.memory_space<hbm>>) dst(%dma_wait3A_66 : memref<128xf32, #tpu.memory_space<vmem>>)
    %dma_start3A_72 = arith.constant 3 : i32
    %dma_start3A_73 = arith.constant 3 : i32
    %dma_start3A_74 = arith.constant 0 : i32
    %dma_start3A_75 = tpu.memref_slice %arg6[%dma_start3A_73, %dma_start3A_74] : memref<4x128xf32, #tpu.memory_space<vmem>> -> memref<1x128xf32, #tpu.memory_space<vmem>>
    %dma_start3A_76 = tpu.memref_squeeze %dma_start3A_75 : memref<1x128xf32, #tpu.memory_space<vmem>> -> memref<128xf32, #tpu.memory_space<vmem>>
    %dma_start3A_77 = arith.constant 0 : i32
    %dma_start3A_78 = tpu.memref_slice %arg5[%dma_start3A_72, %dma_start3A_77] : memref<4x128xi32, #tpu.memory_space<vmem>> -> memref<1x128xi32, #tpu.memory_space<vmem>>
    %dma_start3A_79 = tpu.memref_squeeze %dma_start3A_78 : memref<1x128xi32, #tpu.memory_space<vmem>> -> memref<128xi32, #tpu.memory_space<vmem>>
    %dma_start3A_80 = arith.constant 0 : i32
    %dma_start3A_81 = tpu.memref_slice %arg3[%dma_start3A_80] : memref<1000000xf32, #tpu.memory_space<hbm>> -> memref<1000000xf32, #tpu.memory_space<hbm>>
    tpu.enqueue_indirect_dma source(%dma_start3A_81 : memref<1000000xf32, #tpu.memory_space<hbm>>) target(%dma_start3A_76 : memref<128xf32, #tpu.memory_space<vmem>>) offsets(%dma_start3A_79 : memref<128xi32, #tpu.memory_space<vmem>>) semaphore(%arg7 : memref<!tpu.dma_semaphore, #tpu.memory_space<semaphore_mem>>)
    %dma_wait3A_82 = arith.constant 3 : i32
    %dma_wait3A_83 = arith.constant 3 : i32
    %dma_wait3A_84 = arith.constant 0 : i32
    %dma_wait3A_85 = tpu.memref_slice %arg6[%dma_wait3A_83, %dma_wait3A_84] : memref<4x128xf32, #tpu.memory_space<vmem>> -> memref<1x128xf32, #tpu.memory_space<vmem>>
    %dma_wait3A_86 = tpu.memref_squeeze %dma_wait3A_85 : memref<1x128xf32, #tpu.memory_space<vmem>> -> memref<128xf32, #tpu.memory_space<vmem>>
    %dma_wait3A_87 = arith.constant 0 : i32
    %dma_wait3A_88 = tpu.memref_slice %arg5[%dma_wait3A_82, %dma_wait3A_87] : memref<4x128xi32, #tpu.memory_space<vmem>> -> memref<1x128xi32, #tpu.memory_space<vmem>>
    %dma_wait3A_89 = tpu.memref_squeeze %dma_wait3A_88 : memref<1x128xi32, #tpu.memory_space<vmem>> -> memref<128xi32, #tpu.memory_space<vmem>>
    %dma_wait3A_90 = arith.constant 0 : i32
    %dma_wait3A_91 = tpu.memref_slice %arg3[%dma_wait3A_90] : memref<1000000xf32, #tpu.memory_space<hbm>> -> memref<1000000xf32, #tpu.memory_space<hbm>>
    tpu.wait_indirect_dma semaphore(%arg7 : memref<!tpu.dma_semaphore, #tpu.memory_space<semaphore_mem>>) src(%dma_wait3A_91 : memref<1000000xf32, #tpu.memory_space<hbm>>) dst(%dma_wait3A_86 : memref<128xf32, #tpu.memory_space<vmem>>)
    %add3A_92 = arith.constant 0 : i32
    %add3A_93 = arith.addi %mul3A_2, %add3A_92 : i32
    %run_scoped3A_94 = arith.constant 0 : i32
    "tpu.region"() ({
      %run_scoped3A_104 = tpu.sem_alloc : memref<!tpu.dma_semaphore, #tpu.memory_space<semaphore_mem>>
      %dma_start3A_105 = arith.constant 0 : i32
      %dma_start3A_106 = tpu.memref_slice %arg6[%run_scoped3A_94, %dma_start3A_105] : memref<4x128xf32, #tpu.memory_space<vmem>> -> memref<1x128xf32, #tpu.memory_space<vmem>>
      %dma_start3A_107 = tpu.memref_squeeze %dma_start3A_106 : memref<1x128xf32, #tpu.memory_space<vmem>> -> memref<128xf32, #tpu.memory_space<vmem>>
      %dma_start3A_108 = tpu.memref_slice %arg4[%add3A_93] : memref<16384xf32, #tpu.memory_space<hbm>> -> memref<128xf32, #tpu.memory_space<hbm>>
      %dma_start3A_109 = tpu.memref_slice %arg4[%add3A_93] : memref<16384xf32, #tpu.memory_space<hbm>> -> memref<128xf32, #tpu.memory_space<hbm>>
      %dma_start3A_110 = arith.constant 0 : i32
      %dma_start3A_111 = tpu.memref_slice %arg6[%run_scoped3A_94, %dma_start3A_110] : memref<4x128xf32, #tpu.memory_space<vmem>> -> memref<1x128xf32, #tpu.memory_space<vmem>>
      %dma_start3A_112 = tpu.memref_squeeze %dma_start3A_111 : memref<1x128xf32, #tpu.memory_space<vmem>> -> memref<128xf32, #tpu.memory_space<vmem>>
      tpu.enqueue_dma source(%dma_start3A_112 : memref<128xf32, #tpu.memory_space<vmem>>) target(%dma_start3A_109 : memref<128xf32, #tpu.memory_space<hbm>>) target_semaphore(%run_scoped3A_104 : memref<!tpu.dma_semaphore, #tpu.memory_space<semaphore_mem>>)
      %dma_wait3A_113 = arith.constant 0 : i32
      %dma_wait3A_114 = tpu.memref_slice %arg6[%run_scoped3A_94, %dma_wait3A_113] : memref<4x128xf32, #tpu.memory_space<vmem>> -> memref<1x128xf32, #tpu.memory_space<vmem>>
      %dma_wait3A_115 = tpu.memref_squeeze %dma_wait3A_114 : memref<1x128xf32, #tpu.memory_space<vmem>> -> memref<128xf32, #tpu.memory_space<vmem>>
      %dma_wait3A_116 = tpu.memref_slice %arg4[%add3A_93] : memref<16384xf32, #tpu.memory_space<hbm>> -> memref<128xf32, #tpu.memory_space<hbm>>
      %dma_wait3A_117 = tpu.memref_slice %arg4[%add3A_93] : memref<16384xf32, #tpu.memory_space<hbm>> -> memref<128xf32, #tpu.memory_space<hbm>>
      %dma_wait3A_118 = arith.constant 0 : i32
      %dma_wait3A_119 = tpu.memref_slice %arg6[%run_scoped3A_94, %dma_wait3A_118] : memref<4x128xf32, #tpu.memory_space<vmem>> -> memref<1x128xf32, #tpu.memory_space<vmem>>
      %dma_wait3A_120 = tpu.memref_squeeze %dma_wait3A_119 : memref<1x128xf32, #tpu.memory_space<vmem>> -> memref<128xf32, #tpu.memory_space<vmem>>
      tpu.wait_dma2 semaphore(%run_scoped3A_104 : memref<!tpu.dma_semaphore, #tpu.memory_space<semaphore_mem>>) src(%dma_wait3A_120 : memref<128xf32, #tpu.memory_space<vmem>>) dst(%dma_wait3A_117 : memref<128xf32, #tpu.memory_space<hbm>>)
      tpu.yield
    }) : () -> ()
    %add3A_95 = arith.constant 128 : i32
    %add3A_96 = arith.addi %mul3A_2, %add3A_95 : i32
    %run_scoped3A_97 = arith.constant 1 : i32
    "tpu.region"() ({
      %run_scoped3A_104 = tpu.sem_alloc : memref<!tpu.dma_semaphore, #tpu.memory_space<semaphore_mem>>
      %dma_start3A_105 = arith.constant 0 : i32
      %dma_start3A_106 = tpu.memref_slice %arg6[%run_scoped3A_97, %dma_start3A_105] : memref<4x128xf32, #tpu.memory_space<vmem>> -> memref<1x128xf32, #tpu.memory_space<vmem>>
      %dma_start3A_107 = tpu.memref_squeeze %dma_start3A_106 : memref<1x128xf32, #tpu.memory_space<vmem>> -> memref<128xf32, #tpu.memory_space<vmem>>
      %dma_start3A_108 = tpu.memref_slice %arg4[%add3A_96] : memref<16384xf32, #tpu.memory_space<hbm>> -> memref<128xf32, #tpu.memory_space<hbm>>
      %dma_start3A_109 = tpu.memref_slice %arg4[%add3A_96] : memref<16384xf32, #tpu.memory_space<hbm>> -> memref<128xf32, #tpu.memory_space<hbm>>
      %dma_start3A_110 = arith.constant 0 : i32
      %dma_start3A_111 = tpu.memref_slice %arg6[%run_scoped3A_97, %dma_start3A_110] : memref<4x128xf32, #tpu.memory_space<vmem>> -> memref<1x128xf32, #tpu.memory_space<vmem>>
      %dma_start3A_112 = tpu.memref_squeeze %dma_start3A_111 : memref<1x128xf32, #tpu.memory_space<vmem>> -> memref<128xf32, #tpu.memory_space<vmem>>
      tpu.enqueue_dma source(%dma_start3A_112 : memref<128xf32, #tpu.memory_space<vmem>>) target(%dma_start3A_109 : memref<128xf32, #tpu.memory_space<hbm>>) target_semaphore(%run_scoped3A_104 : memref<!tpu.dma_semaphore, #tpu.memory_space<semaphore_mem>>)
      %dma_wait3A_113 = arith.constant 0 : i32
      %dma_wait3A_114 = tpu.memref_slice %arg6[%run_scoped3A_97, %dma_wait3A_113] : memref<4x128xf32, #tpu.memory_space<vmem>> -> memref<1x128xf32, #tpu.memory_space<vmem>>
      %dma_wait3A_115 = tpu.memref_squeeze %dma_wait3A_114 : memref<1x128xf32, #tpu.memory_space<vmem>> -> memref<128xf32, #tpu.memory_space<vmem>>
      %dma_wait3A_116 = tpu.memref_slice %arg4[%add3A_96] : memref<16384xf32, #tpu.memory_space<hbm>> -> memref<128xf32, #tpu.memory_space<hbm>>
      %dma_wait3A_117 = tpu.memref_slice %arg4[%add3A_96] : memref<16384xf32, #tpu.memory_space<hbm>> -> memref<128xf32, #tpu.memory_space<hbm>>
      %dma_wait3A_118 = arith.constant 0 : i32
      %dma_wait3A_119 = tpu.memref_slice %arg6[%run_scoped3A_97, %dma_wait3A_118] : memref<4x128xf32, #tpu.memory_space<vmem>> -> memref<1x128xf32, #tpu.memory_space<vmem>>
      %dma_wait3A_120 = tpu.memref_squeeze %dma_wait3A_119 : memref<1x128xf32, #tpu.memory_space<vmem>> -> memref<128xf32, #tpu.memory_space<vmem>>
      tpu.wait_dma2 semaphore(%run_scoped3A_104 : memref<!tpu.dma_semaphore, #tpu.memory_space<semaphore_mem>>) src(%dma_wait3A_120 : memref<128xf32, #tpu.memory_space<vmem>>) dst(%dma_wait3A_117 : memref<128xf32, #tpu.memory_space<hbm>>)
      tpu.yield
    }) : () -> ()
    %add3A_98 = arith.constant 256 : i32
    %add3A_99 = arith.addi %mul3A_2, %add3A_98 : i32
    %run_scoped3A_100 = arith.constant 2 : i32
    "tpu.region"() ({
      %run_scoped3A_104 = tpu.sem_alloc : memref<!tpu.dma_semaphore, #tpu.memory_space<semaphore_mem>>
      %dma_start3A_105 = arith.constant 0 : i32
      %dma_start3A_106 = tpu.memref_slice %arg6[%run_scoped3A_100, %dma_start3A_105] : memref<4x128xf32, #tpu.memory_space<vmem>> -> memref<1x128xf32, #tpu.memory_space<vmem>>
      %dma_start3A_107 = tpu.memref_squeeze %dma_start3A_106 : memref<1x128xf32, #tpu.memory_space<vmem>> -> memref<128xf32, #tpu.memory_space<vmem>>
      %dma_start3A_108 = tpu.memref_slice %arg4[%add3A_99] : memref<16384xf32, #tpu.memory_space<hbm>> -> memref<128xf32, #tpu.memory_space<hbm>>
      %dma_start3A_109 = tpu.memref_slice %arg4[%add3A_99] : memref<16384xf32, #tpu.memory_space<hbm>> -> memref<128xf32, #tpu.memory_space<hbm>>
      %dma_start3A_110 = arith.constant 0 : i32
      %dma_start3A_111 = tpu.memref_slice %arg6[%run_scoped3A_100, %dma_start3A_110] : memref<4x128xf32, #tpu.memory_space<vmem>> -> memref<1x128xf32, #tpu.memory_space<vmem>>
      %dma_start3A_112 = tpu.memref_squeeze %dma_start3A_111 : memref<1x128xf32, #tpu.memory_space<vmem>> -> memref<128xf32, #tpu.memory_space<vmem>>
      tpu.enqueue_dma source(%dma_start3A_112 : memref<128xf32, #tpu.memory_space<vmem>>) target(%dma_start3A_109 : memref<128xf32, #tpu.memory_space<hbm>>) target_semaphore(%run_scoped3A_104 : memref<!tpu.dma_semaphore, #tpu.memory_space<semaphore_mem>>)
      %dma_wait3A_113 = arith.constant 0 : i32
      %dma_wait3A_114 = tpu.memref_slice %arg6[%run_scoped3A_100, %dma_wait3A_113] : memref<4x128xf32, #tpu.memory_space<vmem>> -> memref<1x128xf32, #tpu.memory_space<vmem>>
      %dma_wait3A_115 = tpu.memref_squeeze %dma_wait3A_114 : memref<1x128xf32, #tpu.memory_space<vmem>> -> memref<128xf32, #tpu.memory_space<vmem>>
      %dma_wait3A_116 = tpu.memref_slice %arg4[%add3A_99] : memref<16384xf32, #tpu.memory_space<hbm>> -> memref<128xf32, #tpu.memory_space<hbm>>
      %dma_wait3A_117 = tpu.memref_slice %arg4[%add3A_99] : memref<16384xf32, #tpu.memory_space<hbm>> -> memref<128xf32, #tpu.memory_space<hbm>>
      %dma_wait3A_118 = arith.constant 0 : i32
      %dma_wait3A_119 = tpu.memref_slice %arg6[%run_scoped3A_100, %dma_wait3A_118] : memref<4x128xf32, #tpu.memory_space<vmem>> -> memref<1x128xf32, #tpu.memory_space<vmem>>
      %dma_wait3A_120 = tpu.memref_squeeze %dma_wait3A_119 : memref<1x128xf32, #tpu.memory_space<vmem>> -> memref<128xf32, #tpu.memory_space<vmem>>
      tpu.wait_dma2 semaphore(%run_scoped3A_104 : memref<!tpu.dma_semaphore, #tpu.memory_space<semaphore_mem>>) src(%dma_wait3A_120 : memref<128xf32, #tpu.memory_space<vmem>>) dst(%dma_wait3A_117 : memref<128xf32, #tpu.memory_space<hbm>>)
      tpu.yield
    }) : () -> ()
    %add3A_101 = arith.constant 384 : i32
    %add3A_102 = arith.addi %mul3A_2, %add3A_101 : i32
    %run_scoped3A_103 = arith.constant 3 : i32
    "tpu.region"() ({
      %run_scoped3A_104 = tpu.sem_alloc : memref<!tpu.dma_semaphore, #tpu.memory_space<semaphore_mem>>
      %dma_start3A_105 = arith.constant 0 : i32
      %dma_start3A_106 = tpu.memref_slice %arg6[%run_scoped3A_103, %dma_start3A_105] : memref<4x128xf32, #tpu.memory_space<vmem>> -> memref<1x128xf32, #tpu.memory_space<vmem>>
      %dma_start3A_107 = tpu.memref_squeeze %dma_start3A_106 : memref<1x128xf32, #tpu.memory_space<vmem>> -> memref<128xf32, #tpu.memory_space<vmem>>
      %dma_start3A_108 = tpu.memref_slice %arg4[%add3A_102] : memref<16384xf32, #tpu.memory_space<hbm>> -> memref<128xf32, #tpu.memory_space<hbm>>
      %dma_start3A_109 = tpu.memref_slice %arg4[%add3A_102] : memref<16384xf32, #tpu.memory_space<hbm>> -> memref<128xf32, #tpu.memory_space<hbm>>
      %dma_start3A_110 = arith.constant 0 : i32
      %dma_start3A_111 = tpu.memref_slice %arg6[%run_scoped3A_103, %dma_start3A_110] : memref<4x128xf32, #tpu.memory_space<vmem>> -> memref<1x128xf32, #tpu.memory_space<vmem>>
      %dma_start3A_112 = tpu.memref_squeeze %dma_start3A_111 : memref<1x128xf32, #tpu.memory_space<vmem>> -> memref<128xf32, #tpu.memory_space<vmem>>
      tpu.enqueue_dma source(%dma_start3A_112 : memref<128xf32, #tpu.memory_space<vmem>>) target(%dma_start3A_109 : memref<128xf32, #tpu.memory_space<hbm>>) target_semaphore(%run_scoped3A_104 : memref<!tpu.dma_semaphore, #tpu.memory_space<semaphore_mem>>)
      %dma_wait3A_113 = arith.constant 0 : i32
      %dma_wait3A_114 = tpu.memref_slice %arg6[%run_scoped3A_103, %dma_wait3A_113] : memref<4x128xf32, #tpu.memory_space<vmem>> -> memref<1x128xf32, #tpu.memory_space<vmem>>
      %dma_wait3A_115 = tpu.memref_squeeze %dma_wait3A_114 : memref<1x128xf32, #tpu.memory_space<vmem>> -> memref<128xf32, #tpu.memory_space<vmem>>
      %dma_wait3A_116 = tpu.memref_slice %arg4[%add3A_102] : memref<16384xf32, #tpu.memory_space<hbm>> -> memref<128xf32, #tpu.memory_space<hbm>>
      %dma_wait3A_117 = tpu.memref_slice %arg4[%add3A_102] : memref<16384xf32, #tpu.memory_space<hbm>> -> memref<128xf32, #tpu.memory_space<hbm>>
      %dma_wait3A_118 = arith.constant 0 : i32
      %dma_wait3A_119 = tpu.memref_slice %arg6[%run_scoped3A_103, %dma_wait3A_118] : memref<4x128xf32, #tpu.memory_space<vmem>> -> memref<1x128xf32, #tpu.memory_space<vmem>>
      %dma_wait3A_120 = tpu.memref_squeeze %dma_wait3A_119 : memref<1x128xf32, #tpu.memory_space<vmem>> -> memref<128xf32, #tpu.memory_space<vmem>>
      tpu.wait_dma2 semaphore(%run_scoped3A_104 : memref<!tpu.dma_semaphore, #tpu.memory_space<semaphore_mem>>) src(%dma_wait3A_120 : memref<128xf32, #tpu.memory_space<vmem>>) dst(%dma_wait3A_117 : memref<128xf32, #tpu.memory_space<hbm>>)
      tpu.yield
    }) : () -> ()
    return
  }
}

module attributes {stable_mosaic.version = 14 : i64} {
  func.func @_loss_body(%arg0: i32, %arg1: memref<1000x4096xf32, #tpu.memory_space<vmem>>, %arg2: memref<1x4096xi32, #tpu.memory_space<vmem>>, %arg3: memref<4096xf32, #tpu.memory_space<vmem>>) attributes {dimension_semantics = [#tpu.dimension_semantics<arbitrary>], iteration_bounds = array<i64: 4>, scalar_prefetch = 0 : i64, scratch_operands = 0 : i64, tpu.core_type = #tpu.core_type<tc>, window_params = [{transform_indices = @transform_0, window_bounds = array<i64: 1000, 4096>}, {transform_indices = @transform_1, window_bounds = array<i64: 1, 4096>}, {transform_indices = @transform_2, window_bounds = array<i64: 4096>}]} {
    %get3A = arith.constant 0 : index
    %get3A_0 = arith.constant 0 : index
    %get3A_1 = vector.load %arg1[%get3A, %get3A_0] : memref<1000x4096xf32, #tpu.memory_space<vmem>>, vector<1000x4096xf32>
    %get3A_2 = arith.constant 0 : index
    %get3A_3 = arith.constant 0 : index
    %get3A_4 = vector.load %arg2[%get3A_2, %get3A_3] : memref<1x4096xi32, #tpu.memory_space<vmem>>, vector<1x4096xi32>
    %iota3A = tpu.iota {dimensions = array<i32: 0>} : vector<1000x4096xi32>
    %eq3A = vector.broadcast %get3A_4 : vector<1x4096xi32> to vector<1000x4096xi32>
    %eq3A_5 = arith.cmpi eq, %iota3A, %eq3A : vector<1000x4096xi32>
    %jit3A = arith.constant 0.000000e+00 : f32
    %broadcast_in_dim3A = vector.broadcast %jit3A : f32 to vector<1000x4096xf32>
    %select_n3A = arith.select %eq3A_5, %get3A_1, %broadcast_in_dim3A : vector<1000x4096xi1>, vector<1000x4096xf32>
    %reduce_sum3A = arith.constant dense<0.000000e+00> : vector<4096xf32>
    %reduce_sum3A_6 = vector.multi_reduction <add>, %select_n3A, %reduce_sum3A [0] : vector<1000x4096xf32> to vector<4096xf32>
    %exp3A = math.exp %get3A_1 : vector<1000x4096xf32>
    %broadcast_in_dim3A_7 = arith.constant 1.000000e+00 : f32
    %broadcast_in_dim3A_8 = vector.broadcast %broadcast_in_dim3A_7 : f32 to vector<1x1000xf32>
    %dot_general3A = arith.constant dense<0.000000e+00> : vector<1x4096xf32>
    %dot_general3A_9 = tpu.matmul %broadcast_in_dim3A_8, %exp3A, %dot_general3A {dimension_numbers = #tpu.dot_dimension_numbers<[1], [0], [0], [1], [0, 0, 1, 1], [], []>, transpose_lhs_hint = false} : vector<1x1000xf32>, vector<1000x4096xf32>, vector<1x4096xf32> -> vector<1x4096xf32>
    %log3A = math.log %dot_general3A_9 : vector<1x4096xf32>
    %reshape3A = vector.shape_cast %log3A : vector<1x4096xf32> to vector<4096xf32>
    %sub3A = arith.subf %reshape3A, %reduce_sum3A_6 : vector<4096xf32>
    %swap3A = arith.constant 0 : index
    %swap3A_10 = vector.load %arg3[%swap3A] : memref<4096xf32, #tpu.memory_space<vmem>>, vector<4096xf32>
    tpu.vector_store %arg3[%swap3A], %sub3A {strides = array<i32>} : memref<4096xf32, #tpu.memory_space<vmem>>, vector<4096xf32>,
    return
  }
  func.func @transform_0(%arg0: i32) -> (i32, i32) {
    %c0_i32 = arith.constant 0 : i32
    %c0_i32_0 = arith.constant 0 : i32
    return %c0_i32, %arg0 : i32, i32
  }
  func.func @transform_1(%arg0: i32) -> (i32, i32) {
    %c0_i32 = arith.constant 0 : i32
    %c0_i32_0 = arith.constant 0 : i32
    return %c0_i32, %arg0 : i32, i32
  }
  func.func @transform_2(%arg0: i32) -> i32 {
    %c0_i32 = arith.constant 0 : i32
    return %arg0 : i32
  }
}

module attributes {stable_mosaic.version = 14 : i64} {
  func.func @_epilogue_body(%arg0: memref<1x1xi32, #tpu.memory_space<smem>>, %arg1: memref<16384xf32, #tpu.memory_space<vmem>>, %arg2: memref<16384xf32, #tpu.memory_space<vmem>>, %arg3: memref<16384xf32, #tpu.memory_space<vmem>>, %arg4: memref<16384xf32, #tpu.memory_space<vmem>>) attributes {dimension_semantics = [], scalar_prefetch = 0 : i64, scratch_operands = 0 : i64, tpu.core_type = #tpu.core_type<tc>} {
    %get3A = arith.constant 0 : index
    %get3A_0 = arith.constant 0 : index
    %get3A_1 = memref.load %arg0[%get3A, %get3A_0] : memref<1x1xi32, #tpu.memory_space<smem>>
    %convert_element_type3A = arith.sitofp %get3A_1 : i32 to f32
    %mul3A = arith.constant 1.500000e+00 : f32
    %mul3A_2 = arith.mulf %mul3A, %convert_element_type3A : f32
    %add3A = arith.constant -5.000000e+01 : f32
    %add3A_3 = arith.addf %mul3A_2, %add3A : f32
    %tanh3A = math.tanh %add3A_3 : f32
    %mul3A_4 = arith.constant 2.000000e-01 : f32
    %mul3A_5 = arith.mulf %mul3A_4, %tanh3A : f32
    %add3A_6 = arith.constant 2.000000e-01 : f32
    %add3A_7 = arith.addf %mul3A_5, %add3A_6 : f32
    %add3A_8 = arith.constant 1.000000e+00 : f32
    %add3A_9 = arith.addf %add3A_7, %add3A_8 : f32
    %lt3A = arith.constant 3.000000e+00 : f32
    %lt3A_10 = arith.cmpf olt, %convert_element_type3A, %lt3A : f32
    %add3A_11 = arith.constant 1.000000e+00 : f32
    %add3A_12 = arith.addf %convert_element_type3A, %add3A_11 : f32
    %div3A = arith.constant 1.000000e+01 : f32
    %div3A_13 = arith.divf %add3A_12, %div3A : f32
    %jit3A = arith.constant 1.000000e+00 : f32
    %select_n3A = arith.select %lt3A_10, %div3A_13, %jit3A : f32
    %add3A_14 = arith.constant 1.000000e+00 : f32
    %add3A_15 = arith.addf %convert_element_type3A, %add3A_14 : f32
    %log3A = arith.constant 0.899999976 : f32
    %log3A_16 = math.log %log3A : f32
    %mul3A_17 = arith.mulf %add3A_15, %log3A_16 : f32
    %exp3A = math.exp %mul3A_17 : f32
    %sub3A = arith.constant 1.000000e+00 : f32
    %sub3A_18 = arith.subf %sub3A, %exp3A : f32
    %div3A_19 = arith.constant 0.899999976 : f32
    %div3A_20 = arith.divf %div3A_19, %sub3A_18 : f32
    %div3A_21 = arith.constant 1.000000e-01 : f32
    %div3A_22 = arith.divf %div3A_21, %sub3A_18 : f32
    %get3A_23 = arith.constant 0 : index
    %get3A_24 = vector.load %arg2[%get3A_23] : memref<16384xf32, #tpu.memory_space<vmem>>, vector<16384xf32>
    %mul3A_25 = vector.broadcast %div3A_20 : f32 to vector<16384xf32>
    %mul3A_26 = arith.mulf %get3A_24, %mul3A_25 : vector<16384xf32>
    %get3A_27 = arith.constant 0 : index
    %get3A_28 = vector.load %arg1[%get3A_27] : memref<16384xf32, #tpu.memory_space<vmem>>, vector<16384xf32>
    %mul3A_29 = vector.broadcast %div3A_22 : f32 to vector<16384xf32>
    %mul3A_30 = arith.mulf %get3A_28, %mul3A_29 : vector<16384xf32>
    %add3A_31 = arith.addf %mul3A_26, %mul3A_30 : vector<16384xf32>
    %reduce_sum3A = vector.shape_cast %add3A_31 : vector<16384xf32> to vector<1x16384xf32>
    %reduce_sum3A_32 = arith.constant dense<0.000000e+00> : vector<1xf32>
    %reduce_sum3A_33 = vector.multi_reduction <add>, %reduce_sum3A, %reduce_sum3A_32 [1] : vector<1x16384xf32> to vector<1xf32>
    %reduce_sum3A_34 = vector.shape_cast %reduce_sum3A_33 : vector<1xf32> to vector<1x1xf32>
    %reduce_sum3A_35 = vector.extract %reduce_sum3A_34[0, 0] : f32 from vector<1x1xf32>
    %mul3A_36 = arith.constant 6.10351563E-5 : f32
    %mul3A_37 = arith.mulf %reduce_sum3A_35, %mul3A_36 : f32
    %mul3A_38 = arith.mulf %add3A_9, %mul3A_37 : f32
    %sub3A_39 = vector.broadcast %mul3A_38 : f32 to vector<16384xf32>
    %sub3A_40 = arith.subf %add3A_31, %sub3A_39 : vector<16384xf32>
    %mul3A_41 = vector.broadcast %select_n3A : f32 to vector<16384xf32>
    %mul3A_42 = arith.mulf %sub3A_40, %mul3A_41 : vector<16384xf32>
    %get3A_43 = arith.constant 0 : index
    %get3A_44 = vector.load %arg3[%get3A_43] : memref<16384xf32, #tpu.memory_space<vmem>>, vector<16384xf32>
    %div3A_45 = arith.divf %mul3A_42, %get3A_44 : vector<16384xf32>
    %swap3A = arith.constant 0 : index
    %swap3A_46 = vector.load %arg4[%swap3A] : memref<16384xf32, #tpu.memory_space<vmem>>, vector<16384xf32>
    tpu.vector_store %arg4[%swap3A], %div3A_45 {strides = array<i32>} : memref<16384xf32, #tpu.memory_space<vmem>>, vector<16384xf32>,
    return
  }
}

</mosaic_0001>

<sc_bundles>
// kernel: kernel.5.cloned.1.call-start
scs
__scs_entry_jumppad:
0x0: {  	(pc) =	sbr.rel $0x88, $3  }
0x1: {  	(tag) =	ssettag $0x0;
	lr =	simm.s32 $0x1  }
0x2: {  	[smem:$0x3F9B] =	sst lr;
	_ =	strace $0xD0000000  }
0x3: {  	_ = 	snop  }
0x4: {  	_ = 	snop  }
0x5: {  	_ = 	snop  }
0x6: {  	_ = 	snop  }
0x7: {  	_ = 	snop  }
__scs_overlays_trampoline_lowered:
0x8: {  	[smem:$0x3FAA] =	sst s0  }
0x9: {  	[smem:$0x3FAB] =	sst s1  }
0xa: {  	[smem:$0x3FAC] =	sst s2  }
0xb: {  	[smem:$0x3FAD] =	sst s3  }
0xc: {  	[smem:$0x3FAE] =	sst s4  }
0xd: {  	[smem:$0x3FAF] =	sst s5  }
0xe: {  	[smem:$0x3FB0] =	sst s6  }
0xf: {  	[smem:$0x3FB1] =	sst s7  }
0x10: {  	[smem:$0x3FB2] =	sst s8  }
0x11: {  	[smem:$0x3FB3] =	sst s9;
	s0 =	simm.s32 @!p0 $0x0  }
0x12: {  	s1 =	sld [smem:$0x3F99];
	s0 =	simm.s32 @p0 $0x1  }
0x13: {  	[smem:$0x3FB4] =	sst s0;
	s0 =	simm.s32 @!p1 $0x0  }
0x14: {  	s2 =	sld [smem:$0x3F98];
	s0 =	simm.s32 @p1 $0x1  }
0x15: {  	[smem:$0x3FB5] =	sst s0;
	s0 =	simm.s32 @!p2 $0x0  }
0x16: {  	s3 =	sld [smem:$0x3FDB];
	s0 =	simm.s32 @p2 $0x1  }
0x17: {  	s4 =	simm.s32 $0x1BF5;
	[smem:$0x3FB7] =	sst s0  }
0x18: {  	s0 =	sld [smem:$0x3F9A];
	_ =	swait.ge [sflag:s4], $0x0  }
0x19: {  	s7 =	sld [smem:$0x3F9B]  }
0x1a: {  	s8 =	sadd.s32 $0xFFFFE003, lr  }
0x1b: {  	s9 =	sadd.s32 $0xFFFFFEF7, lr;
	s5 =	simm.s32 $0xFFFFFFFF;
	p2 =	slt.u32 s8, $0xFFFFF086  }
0x1c: {  	p1 =	slt.u32 s9, $0xF7A;
	s5 =	simm.s32 @!p2 $0x0  }
0x1d: {  	s5 =	simm.s32 @p1 $0x1;
	p0 =	seq.s32 s7, s2  }
0x1e: {  	s7 =	smul.u32 @!p0 $0xF7A, s2;
	p2 =	seq.s32 @!p0 s5, $0x0  }
0x1f: {  	s9 =	smul.u32 $0xF7A, s1;
	s8 =	simm.s32 @!p0 $0x1BF5;
	p2 =	por !p2, p0  }
0x20: {  	[sflag:s8] =	ssyncset.s32 @!p0 $0xFFFFF086;
	s6 =	sadd.s32 @!p0 s3, s7;
	s7 =	simm.s32 @!p0 $0x108  }
0x21: {  	s3 =	sadd.s32 s3, s9;
	s6 =	sadd.s32 @!p0 $0x88, s6;
	s7 =	simm.s32 @p2 $0x1082  }
0x22: {  	[simem:s7], [sflag:s8] =	dma.local @!p0 [hbm:s6], $0xF7A  }
0x23: {  	s9 =	sor.u32 $0xD0000000, s2;
	s6 =	simm.s32 $0x108;
	_ =	swait.ge @!p0 [sflag:s8], $0x0  }
0x24: {  	s3 =	sadd.s32 $0x88, s3;
	s6 =	simm.s32 @!p1 $0x1082;
	[sflag:s4] =	ssyncset.s32 $0xFFFFF086  }
0x25: {  	[simem:s6], [sflag:s4] =	dma.local [hbm:s3], $0xF7A  }
0x26: {  	[smem:$0x3F9B] =	sst s1;
	(tag) =	ssettag s2;
	_ =	strace s9  }
0x27: {  	s1 =	sld [smem:$0x3FAB]  }
0x28: {  	s2 =	sld [smem:$0x3FAC]  }
0x29: {  	s4 =	sld [smem:$0x3FAE]  }
0x2a: {  	p0 =	seq.s32 s5, $0x0;
	s5 =	sld [smem:$0x3FAF]  }
0x2b: {  	s6 =	sld [smem:$0x3FB0]  }
0x2c: {  	s7 =	sld [smem:$0x3FB1]  }
0x2d: {  	s3 =	simm.s32 $0x108;
	s8 =	sld [smem:$0x3FB2]  }
0x2e: {  	s3 =	simm.s32 @!p0 $0x1082;
	s9 =	sld [smem:$0x3FB3]  }
0x2f: {  	lr =	sadd.s32 s0, s3;
	s0 =	sld [smem:$0x3FAA]  }
0x30: {  	s3 =	sld [smem:$0x3FAD]  }
0x31: {  	[smem:$0x3FB6] =	sst s10  }
0x32: {  	s10 =	sld [smem:$0x3FB4];
	_ =	sdelay $0x3  }
0x33: {  	p0 =	seq.s32 s10, $0x1;
	s10 =	sld [smem:$0x3FB6];
	_ =	sdelay $0x3  }
0x34: {  	[smem:$0x3FB6] =	sst s10  }
0x35: {  	s10 =	sld [smem:$0x3FB5];
	_ =	sdelay $0x3  }
0x36: {  	p1 =	seq.s32 s10, $0x1;
	s10 =	sld [smem:$0x3FB6];
	_ =	sdelay $0x3  }
0x37: {  	[smem:$0x3FB6] =	sst s10  }
0x38: {  	s10 =	sld [smem:$0x3FB7]  }
0x39: {  	_ = 	snop;
	(pc) =	sbr.ind lr, $3  }
0x3a: {  	_ = 	snop  }
0x3b: {  	_ = 	snop  }
0x3c: {  	p2 =	seq.s32 s10, $0x1;
	s10 =	sld [smem:$0x3FB6]  }
0x3d: {  	_ =	shalt  }
0x3e: {  	_ =	shalt  }
0x3f: {  	_ =	shalt  }
0x40: {  	_ =	shalt  }
0x41: {  	_ =	shalt  }
0x42: {  	_ =	shalt  }
0x43: {  	_ =	shalt  }
0x44: {  	_ =	shalt  }
0x45: {  	_ =	shalt  }
0x46: {  	_ =	shalt  }
0x47: {  	_ =	shalt  }
0x48: {  	_ =	shalt  }
0x49: {  	_ =	shalt  }
0x4a: {  	_ =	shalt  }
0x4b: {  	_ =	shalt  }
0x4c: {  	_ =	shalt  }
0x4d: {  	_ =	shalt  }
0x4e: {  	_ =	shalt  }
0x4f: {  	_ =	shalt  }
0x50: {  	_ =	shalt  }
0x51: {  	_ =	shalt  }
0x52: {  	_ =	shalt  }
0x53: {  	_ =	shalt  }
0x54: {  	_ =	shalt  }
0x55: {  	_ =	shalt  }
0x56: {  	_ =	shalt  }
0x57: {  	_ =	shalt  }
0x58: {  	_ =	shalt  }
0x59: {  	_ =	shalt  }
0x5a: {  	_ =	shalt  }
0x5b: {  	_ =	shalt  }
0x5c: {  	_ =	shalt  }
0x5d: {  	_ =	shalt  }
0x5e: {  	_ =	shalt  }
0x5f: {  	_ =	shalt  }
0x60: {  	_ =	shalt  }
0x61: {  	_ =	shalt  }
0x62: {  	_ =	shalt  }
0x63: {  	_ =	shalt  }
0x64: {  	_ =	shalt  }
0x65: {  	_ =	shalt  }
0x66: {  	_ =	shalt  }
0x67: {  	_ =	shalt  }
0x68: {  	_ =	shalt  }
0x69: {  	_ =	shalt  }
0x6a: {  	_ =	shalt  }
0x6b: {  	_ =	shalt  }
0x6c: {  	_ =	shalt  }
0x6d: {  	_ =	shalt  }
0x6e: {  	_ =	shalt  }
0x6f: {  	_ =	shalt  }
0x70: {  	_ =	shalt  }
0x71: {  	_ =	shalt  }
0x72: {  	_ =	shalt  }
0x73: {  	_ =	shalt  }
0x74: {  	_ =	shalt  }
0x75: {  	_ =	shalt  }
0x76: {  	_ =	shalt  }
0x77: {  	_ =	shalt  }
0x78: {  	_ =	shalt  }
0x79: {  	_ =	shalt  }
0x7a: {  	_ =	shalt  }
0x7b: {  	_ =	shalt  }
0x7c: {  	_ =	shalt  }
0x7d: {  	_ =	shalt  }
0x7e: {  	_ =	shalt  }
0x7f: {  	_ =	shalt  }
0x80: {  	_ =	shalt  }
0x81: {  	_ =	shalt  }
0x82: {  	_ =	shalt  }
0x83: {  	_ =	shalt  }
0x84: {  	_ =	shalt  }
0x85: {  	_ =	shalt  }
0x86: {  	_ =	shalt  }
0x87: {  	_ =	shalt  }
.Lfunc_end0:
.L_simem_size_0:
called_computation_lowered:
.L_overlay_start_0:
0x88: {  	s2 =	sld [smem:$0x3FD9]  }
0x89: {  	s3 =	sld [smem:$0x3FFE];
	_ =	sdelay $0x1  }
0x8a: {  	s1 =	srdreg.scid  }
0x8b: {  	s0 =	sand.u32 $0x1, s1  }
0x8c: {  	s18 =	sshll.u32 s0, $0xA;
	s2 =	sadd.s32 s3, s2  }
0x8d: {  	s2 =	sadd.s32 s2, s18  }
0x8e: {  	[smem:$0x3FC2] =	sst s2  }
0x8f: {  	_ = 	snop  }
0x90: {  	s2 =	sld [smem:$0x3FC6]  }
0x91: {  	s19 =	sld [smem:$0x3FC5]  }
0x92: {  	s4 =	sld [smem:$0x3FD0];
	(tm) =	ssettm $0x1  }
0x93: {  	s5 =	sld [smem:$0x3FFB];
	_ =	sdelay $0x3  }
0x94: {  	_ =	strace s5  }
0x95: {  	s5 =	sld [smem:$0x3FFC];
	_ =	sdelay $0x3  }
0x96: {  	_ =	strace s5  }
0x97: {  	s5 =	sld [smem:$0x3FFD];
	_ =	sdelay $0x3  }
0x98: {  	_ =	strace s5  }
0x99: {  	_ =	strace $0x8FFFFFFF  }
0x9a: {  	s20 =	sld [smem:$0x3FDB];
	_ =	sdelay $0x1  }
0x9b: {  	s6 =	simm.s32 $_scs_section_size  }
0x9c: {  	s7 =	simm.s32 $_size__tile_overlayer_lowered;
	s8 =	simm.s32 $_tile_overlayer_lowered  }
0x9d: {  	s23 =	simm.s32 $0x1BFF;
	s22 =	sshll.u32 s8, $0x1;
	s5 =	sadd.s32 s6, s20  }
0x9e: {  	s9 =	simm.s32 $0x0;
	s21 =	sshll.u32 s7, $0x1;
	s7 =	sadd.s32 s22, s5  }
0x9f: {  	[timem:s9], [sflag:s23] =	dma.local [hbm:s7], s21  }
0xa0: {  	_ =	swait.ge [sflag:s23], s21  }
0xa1: {  	s6 =	ssub.s32 $0x0, s21;
	[sflag:s23] =	ssyncset.done $0x0  }
0xa2: {  	[sflag:s23] =	ssyncadd.s32 s6;
	_ =	sdelay $0x1  }
0xa3: {  	s24 =	simm.s32 $0x1B8B  }
0xa4: {  	_ =	swait.ge [sflag:s24], $0x1  }
0xa5: {  	[sflag:s24] =	ssyncset.done $0x0  }
0xa6: {  	s25 =	simm.s32 $0x1B8E;
	[sflag:s24] =	ssyncadd.s32 $0xFFFFFFFF  }
0xa7: {  	s26 =	simm.s32 $execute0_lowered;
	[smem:$0x3FD2] =	sst s25  }
0xa8: {  	s6 =	sshll.u32 s26, $0x1;
	_ =	strace $0x80000046;
	[dreg:$0x1] =	wrdreg $0xFFFFFFFF  }
0xa9: {  	s28 =	simm.s32 $_size_execute0_lowered;
	s5 =	sadd.s32 s5, s6;
	[dreg:$0x0] =	wrdreg $0x0  }
0xaa: {  	s6 =	sshll.u32 s28, $0x1;
	[dreg:$0x2] =	wrdreg s5  }
0xab: {  	[dreg:$0x3] =	wrdreg s6  }
0xac: {  	[dreg:$0x4] =	wrdreg $0xC0  }
0xad: {  	_ =	task [dreg:s9], $0x5FFFF  }
0xae: {  	[dreg:$0x1] =	wrdreg $0xFFFFFFFF  }
0xaf: {  	[dreg:$0x0] =	wrdreg $0x60  }
0xb0: {  	[dreg:$0x2] =	wrdreg s19  }
0xb1: {  	[dreg:$0x3] =	wrdreg s2  }
0xb2: {  	[dreg:$0x4] =	wrdreg s4  }
0xb3: {  	[dreg:$0x5] =	wrdreg $0x9  }
0xb4: {  	_ =	task.clear_ibuf [dreg:s9], $0x6FFFF;
	_ =	strace $0x90000046  }
0xb5: {  	s29 =	simm.s32 $0x9;
	_ =	strace $0x80000048  }
0xb6: {  	_ =	swait.ge [sflag:s29], $0x1  }
0xb7: {  	[sflag:s29] =	ssyncadd.s32 $0xFFFFFFFF  }
0xb8: {  	_ =	strace $0x90000048  }
0xb9: {  	_ =	sfence  }
0xba: {  	s30 =	sld [smem:$0x0];
	_ =	sdelay $0x2  }
0xbb: {  	s31 =	sshll.u32 s1, $0xD;
	s1 =	sshrl.u32 s1, $0x2  }
0xbc: {  	s3 =	sand.u32 $0x4000, s31;
	s1 =	sadd.s32 s1, s30  }
0xbd: {  	s0 =	sor.u32 s3, s0;
	s1 =	sshll.u32 s1, $0x11  }
0xbe: {  	s0 =	sor.u32 s1, s0  }
0xbf: {  	s0 =	sadd.s32 $0x8F2B, s0  }
0xc0: {  	[sflag:s0] =	ssyncadd.remote.s32 $0x1  }
0xc1: {  	_ =	sfence.sel $0xFFFF  }
0xc2: {  	[dreg:$0x0] =	wrdreg $0xFFFFFFFF;
	(pc) =	sbr.abs _section_cstart, $3  }
0xc3: {  	[dreg:$0x1] =	wrdreg $0xFFFFFFFF  }
0xc4: {  	_ =	task.clear_ibuf [dreg:s9], $0x2FFFF;
	_ =	strace $0x9FFFFFFF  }
0xc5: {  	(tm) =	ssettm $0x7FFFFFFF  }
tec
execute0_lowered:
.L_overlay_start_1:
0x0: {  	(tag) =	ssettag $0x1  }
0x1: {  	s10 =	rddreg [dreg:$0x0]  }
0x2: {  	s2 =	rddreg [dreg:$0x1]  }
0x3: {  	s20 =	rddreg [dreg:$0x2];
	s3 =	srdreg.scid  }
0x4: {  	s0 =	rddreg [dreg:$0x3];
	s1 =	stileid.u32;
	s19 =	sand.u32 $0x1, s3  }
0x5: {  	s3 =	simm.s32 $0x0;
	s4 =	sshll.u32 s1, $0x7;
	s5 =	sshll.u32 s19, $0x6  }
0x6: {  	[smem:$0x7FF] =	sst s3;
	s17 =	sor.u32 s5, s4  }
0x7: {  	_ =	strace $0x80000047;
	s4 =	simm.s32 $0x2;
	s5 =	sadd.s32 s10, s17  }
0x8: {  	[tilespmem:s3], [sflag:$0x2] =	stream.linear.gather [hbm4b:s5+s3], $0x80, $0x38;
	[tilespmem:$0x400] =	vst v63  }
0x9: {  	_ =	swait.ge [sflag:s4], $0x80  }
0xa: {  	s18 =	sor.u32 $0x10, s17;
	[sflag:s4] =	ssyncset.done $0x0  }
0xb: {  	s7 =	simm.s32 $0x80;
	s6 =	sadd.s32 s10, s18;
	[sflag:s4] =	ssyncadd.s32 $0xFFFFFF80  }
0xc: {  	[tilespmem:s7], [sflag:$0x2] =	stream.linear.gather [hbm4b:s6+s3], $0x80, $0x38;
	[tilespmem:$0x400] =	vst v63  }
0xd: {  	_ =	swait.ge [sflag:s4], $0x80  }
0xe: {  	s21 =	sor.u32 $0x20, s17;
	[sflag:s4] =	ssyncset.done $0x0  }
0xf: {  	s9 =	simm.s32 $0x100;
	s8 =	sadd.s32 s10, s21;
	[sflag:s4] =	ssyncadd.s32 $0xFFFFFF80  }
0x10: {  	[tilespmem:s9], [sflag:$0x2] =	stream.linear.gather [hbm4b:s8+s3], $0x80, $0x38;
	[tilespmem:$0x400] =	vst v63  }
0x11: {  	_ =	swait.ge [sflag:s4], $0x80  }
0x12: {  	s22 =	sor.u32 $0x30, s17;
	[sflag:s4] =	ssyncset.done $0x0  }
0x13: {  	s11 =	simm.s32 $0x180;
	s10 =	sadd.s32 s10, s22;
	[sflag:s4] =	ssyncadd.s32 $0xFFFFFF80  }
0x14: {  	[tilespmem:s11], [sflag:$0x2] =	stream.linear.gather [hbm4b:s10+s3], $0x80, $0x38;
	[tilespmem:$0x400] =	vst v63  }
0x15: {  	_ =	swait.ge [sflag:s4], $0x80  }
0x16: {  	[sflag:s4] =	ssyncset.done $0x0  }
0x17: {  	s12 =	simm.s32 $0x200;
	s13 =	simm.s32 $0x1;
	[sflag:s4] =	ssyncadd.s32 $0xFFFFFF80  }
0x18: {  	[tilespmem:s12], [sflag:$0x1] =	stream.indirect.gather [hbm4b:s2+s7], $0x1, s3, s7, $0xb8;
	[tilespmem:$0x400] =	vst v63  }
0x19: {  	_ =	swait.ge [sflag:s13], $0x80  }
0x1a: {  	[sflag:s13] =	ssyncset.done $0x0  }
0x1b: {  	s14 =	simm.s32 $0x280;
	[sflag:s13] =	ssyncadd.s32 $0xFFFFFF80  }
0x1c: {  	[tilespmem:s14], [sflag:$0x1] =	stream.indirect.gather [hbm4b:s2+s7], $0x1, s7, s7, $0xb8;
	[tilespmem:$0x400] =	vst v63  }
0x1d: {  	_ =	swait.ge [sflag:s13], $0x80  }
0x1e: {  	[sflag:s13] =	ssyncset.done $0x0  }
0x1f: {  	s15 =	simm.s32 $0x300;
	[sflag:s13] =	ssyncadd.s32 $0xFFFFFF80  }
0x20: {  	[tilespmem:s15], [sflag:$0x1] =	stream.indirect.gather [hbm4b:s2+s7], $0x1, s9, s7, $0xb8;
	[tilespmem:$0x400] =	vst v63  }
0x21: {  	_ =	swait.ge [sflag:s13], $0x80  }
0x22: {  	[sflag:s13] =	ssyncset.done $0x0  }
0x23: {  	s16 =	simm.s32 $0x380;
	[sflag:s13] =	ssyncadd.s32 $0xFFFFFF80  }
0x24: {  	[tilespmem:s16], [sflag:$0x1] =	stream.indirect.gather [hbm4b:s2+s7], $0x1, s11, s7, $0xb8;
	[tilespmem:$0x400] =	vst v63  }
0x25: {  	_ =	swait.ge [sflag:s13], $0x80  }
0x26: {  	[sflag:s13] =	ssyncset.done $0x0  }
0x27: {  	s17 =	sadd.s32 s20, s17;
	[sflag:s13] =	ssyncadd.s32 $0xFFFFFF80  }
0x28: {  	[hbm4b:s17+s3] =	stream.linear.scatter [tilespmem:s12], [sflag:$0x2], $0x80, $0x38;
	[tilespmem:$0x400] =	vst v63  }
0x29: {  	_ =	swait.ge [sflag:s4], $0x80  }
0x2a: {  	[sflag:s4] =	ssyncset.done $0x0  }
0x2b: {  	s23 =	ssub.s32 $0x2, s19;
	s18 =	sadd.s32 s20, s18;
	[sflag:s4] =	ssyncadd.s32 $0xFFFFFF80  }
0x2c: {  	[hbm4b:s18+s3] =	stream.linear.scatter [tilespmem:s14], [sflag:$0x2], $0x80, $0x38;
	[tilespmem:$0x400] =	vst v63  }
0x2d: {  	s31 =	sshrl.u32 s23, $0x1;
	_ =	swait.ge [sflag:s4], $0x80  }
0x2e: {  	s19 =	sadd.s32 s20, s21;
	s21 =	ssub.s32 s23, s31;
	[sflag:s4] =	ssyncset.done $0x0  }
0x2f: {  	s21 =	smax.u32 s21, $0x1;
	[sflag:s4] =	ssyncadd.s32 $0xFFFFFF80  }
0x30: {  	[hbm4b:s19+s3] =	stream.linear.scatter [tilespmem:s15], [sflag:$0x2], $0x80, $0x38;
	[tilespmem:$0x400] =	vst v63  }
0x31: {  	p0 =	sne.s32 s21, $0x1;
	_ =	swait.ge [sflag:s4], $0x80  }
.Ltmp0:
0x32: {  	[sflag:s4] =	ssyncset.done $0x0;
	(pc) =	sbr.rel @!p0 .LBB2_2-.Ltmp0, $4  }
0x33: {  	s20 =	sadd.s32 s20, s22;
	[sflag:s4] =	ssyncadd.s32 $0xFFFFFF80  }
0x34: {  	[hbm4b:s20+s3] =	stream.linear.scatter [tilespmem:s16], [sflag:$0x2], $0x80, $0x38;
	[tilespmem:$0x400] =	vst v63  }
0x35: {  	_ =	swait.ge [sflag:s4], $0x80  }
0x36: {  	s21 =	sadd.s32 $0xFFFFFFFF, s21;
	[sflag:s4] =	ssyncset.done $0x0  }
.LBB2_1:
0x37: {  	p0 =	sne.s32 s21, $0x1;
	s21 =	sadd.s32 $0xFFFFFFFF, s21;
	[sflag:s4] =	ssyncadd.s32 $0xFFFFFF80  }
0x38: {  	[tilespmem:s3], [sflag:$0x2] =	stream.linear.gather [hbm4b:s5+s3], $0x80, $0x38;
	[tilespmem:$0x400] =	vst v63  }
0x39: {  	_ =	swait.ge [sflag:s4], $0x80  }
0x3a: {  	[sflag:s4] =	ssyncset.done $0x0  }
0x3b: {  	[sflag:s4] =	ssyncadd.s32 $0xFFFFFF80  }
0x3c: {  	[tilespmem:s7], [sflag:$0x2] =	stream.linear.gather [hbm4b:s6+s3], $0x80, $0x38;
	[tilespmem:$0x400] =	vst v63  }
0x3d: {  	_ =	swait.ge [sflag:s4], $0x80  }
0x3e: {  	[sflag:s4] =	ssyncset.done $0x0  }
0x3f: {  	[sflag:s4] =	ssyncadd.s32 $0xFFFFFF80  }
0x40: {  	[tilespmem:s9], [sflag:$0x2] =	stream.linear.gather [hbm4b:s8+s3], $0x80, $0x38;
	[tilespmem:$0x400] =	vst v63  }
0x41: {  	_ =	swait.ge [sflag:s4], $0x80  }
0x42: {  	[sflag:s4] =	ssyncset.done $0x0  }
0x43: {  	[sflag:s4] =	ssyncadd.s32 $0xFFFFFF80  }
0x44: {  	[tilespmem:s11], [sflag:$0x2] =	stream.linear.gather [hbm4b:s10+s3], $0x80, $0x38;
	[tilespmem:$0x400] =	vst v63  }
0x45: {  	_ =	swait.ge [sflag:s4], $0x80  }
0x46: {  	[sflag:s4] =	ssyncset.done $0x0  }
0x47: {  	[sflag:s4] =	ssyncadd.s32 $0xFFFFFF80  }
0x48: {  	[tilespmem:s12], [sflag:$0x1] =	stream.indirect.gather [hbm4b:s2+s7], $0x1, s3, s7, $0xb8;
	[tilespmem:$0x400] =	vst v63  }
0x49: {  	_ =	swait.ge [sflag:s13], $0x80  }
0x4a: {  	[sflag:s13] =	ssyncset.done $0x0  }
0x4b: {  	[sflag:s13] =	ssyncadd.s32 $0xFFFFFF80  }
0x4c: {  	[tilespmem:s14], [sflag:$0x1] =	stream.indirect.gather [hbm4b:s2+s7], $0x1, s7, s7, $0xb8;
	[tilespmem:$0x400] =	vst v63  }
0x4d: {  	_ =	swait.ge [sflag:s13], $0x80  }
0x4e: {  	[sflag:s13] =	ssyncset.done $0x0  }
0x4f: {  	[sflag:s13] =	ssyncadd.s32 $0xFFFFFF80  }
0x50: {  	[tilespmem:s15], [sflag:$0x1] =	stream.indirect.gather [hbm4b:s2+s7], $0x1, s9, s7, $0xb8;
	[tilespmem:$0x400] =	vst v63  }
0x51: {  	_ =	swait.ge [sflag:s13], $0x80  }
0x52: {  	[sflag:s13] =	ssyncset.done $0x0  }
0x53: {  	[sflag:s13] =	ssyncadd.s32 $0xFFFFFF80  }
0x54: {  	[tilespmem:s16], [sflag:$0x1] =	stream.indirect.gather [hbm4b:s2+s7], $0x1, s11, s7, $0xb8;
	[tilespmem:$0x400] =	vst v63  }
0x55: {  	_ =	swait.ge [sflag:s13], $0x80  }
0x56: {  	[sflag:s13] =	ssyncset.done $0x0  }
0x57: {  	[sflag:s13] =	ssyncadd.s32 $0xFFFFFF80  }
0x58: {  	[hbm4b:s17+s3] =	stream.linear.scatter [tilespmem:s12], [sflag:$0x2], $0x80, $0x38;
	[tilespmem:$0x400] =	vst v63  }
0x59: {  	_ =	swait.ge [sflag:s4], $0x80  }
0x5a: {  	[sflag:s4] =	ssyncset.done $0x0  }
0x5b: {  	[sflag:s4] =	ssyncadd.s32 $0xFFFFFF80  }
0x5c: {  	[hbm4b:s18+s3] =	stream.linear.scatter [tilespmem:s14], [sflag:$0x2], $0x80, $0x38;
	[tilespmem:$0x400] =	vst v63  }
0x5d: {  	_ =	swait.ge [sflag:s4], $0x80  }
0x5e: {  	[sflag:s4] =	ssyncset.done $0x0  }
0x5f: {  	[sflag:s4] =	ssyncadd.s32 $0xFFFFFF80  }
0x60: {  	[hbm4b:s19+s3] =	stream.linear.scatter [tilespmem:s15], [sflag:$0x2], $0x80, $0x38;
	[tilespmem:$0x400] =	vst v63  }
0x61: {  	_ =	swait.ge [sflag:s4], $0x80  }
.Ltmp1:
0x62: {  	[sflag:s4] =	ssyncset.done $0x0;
	(pc) =	sbr.rel @p0 .LBB2_1-.Ltmp1, $4  }
0x63: {  	[sflag:s4] =	ssyncadd.s32 $0xFFFFFF80  }
0x64: {  	[hbm4b:s20+s3] =	stream.linear.scatter [tilespmem:s16], [sflag:$0x2], $0x80, $0x38;
	[tilespmem:$0x400] =	vst v63  }
0x65: {  	_ =	swait.ge [sflag:s4], $0x80  }
0x66: {  	[sflag:s4] =	ssyncset.done $0x0  }
.LBB2_2:
0x67: {  	[sflag:s4] =	ssyncadd.s32 $0xFFFFFF80  }
0x68: {  	_ =	sfence.sel $0x180000  }
0x69: {  	[bflag:$0x0] =	sbarrier.arrive $0xFFFF  }
0x6a: {  	p0 =	sne.s32 s1, $0x0;
	_ =	strace $0x90000047  }
0x6b: {  	s0 =	sadd.s32 @!p0 $0x100000, s0;
	[bflag:$0x2] =	sbarrier.arrive $0xFFFF  }
0x6c: {  	[sflag:s0] =	ssyncadd.tile.s32 @!p0 $0x1;
	_ =	shalt  }
.Lfunc_end2:
_tile_overlayer_lowered:
.L_overlay_start_2:
0x6d: {  	(tag) =	ssettag $0x2  }
0x6e: {  	s0 =	rddreg [dreg:$0x0];
	s2 =	stileid.u32  }
0x6f: {  	s1 =	rddreg [dreg:$0x1];
	p0 =	sne.s32 s2, $0x0  }
0x70: {  	s3 =	rddreg [dreg:$0x2];
	[bflag:$0x3] =	sbarrier.arrive $0xFFFF;
	s2 =	simm.s32 @!p0 $0x1C02  }
0x71: {  	[timem:s3], [sflag:s2] =	dma.local @!p0 [hbm:s0], s1  }
0x72: {  	s0 =	simm.s32 @!p0 $0x2  }
0x73: {  	_ =	swait.ge @!p0 [sflag:s0], s1  }
0x74: {  	s1 =	ssub.s32 @!p0 $0x0, s1;
	[sflag:s0] =	ssyncset.done @!p0 $0x0  }
0x75: {  	[sflag:s0] =	ssyncadd.s32 @!p0 s1  }
0x76: {  	[bflag:$0x3] =	sbarrier.arrive $0xFFFF  }
0x77: {  	_ =	shalt  }

</sc_bundles>
